<compile_context>
chip_gen: v7x
topology: tpu7x:2x2x1
jax: 0.10.2.dev20260603
libtpu: 0.0.44.dev20260713+nightly
codegen_flags: <defaults>
</compile_context>

<pallas_src>
import functools

import numpy as np
import jax
import jax.numpy as jnp
from jax import lax
from jax.experimental import pallas as pl
from jax.experimental.pallas import tpu as pltpu
from jax.experimental.pallas import tpu_sc as plsc

NS = 8
TILE = 1024
ROWPAD = 16


def _fuse_weights(W1, b1, W2, b2):
    mlp1 = W2.shape[0]
    hi = jax.lax.Precision.HIGHEST
    terms = []
    for u in range(2):
        for v in range(2):
            t = jnp.einsum('om,mcij->ocij', W2[:, :, u, v], W1, precision=hi)
            terms.append(jnp.pad(t, ((0, 0), (0, 0), (u, 1 - u), (v, 1 - v))))
    K = terms[0] + terms[1] + terms[2] + terms[3]
    bias = b2 + jnp.einsum('omuv,m->o', W2, b1, precision=hi)
    K4 = K.reshape(mlp1, 4, 6, 4, 4)
    P = {(0, 0): K4[:, 0], (1, 1): K4[:, 1], (0, 1): K4[:, 2], (1, 0): K4[:, 3]}
    rows = []
    for dy in range(2):
        r = jnp.stack([P[(dy, 0)], P[(dy, 1)]], axis=-1)
        rows.append(r.reshape(mlp1, 6, 4, 8))
    A = jnp.stack(rows, axis=-2).reshape(mlp1, 6, 8, 8)
    cvec = bias + jnp.sum(A[:, 3:6], axis=(1, 2, 3))
    Wq = A[:, 0:3].reshape(mlp1, 3 * NS * NS).T
    return Wq, cvec


def _selection_idx():
    a = np.zeros((3 * NS * NS,), np.int32)
    b = np.zeros((3 * NS * NS,), np.int32)
    for c in range(3):
        for i in range(NS):
            for j in range(NS):
                k = c * NS * NS + i * NS + j
                a[k] = i * ROWPAD + c
                b[k] = j * ROWPAD + c
    return jnp.asarray(a), jnp.asarray(b)


def _topk_body(posT_tile_ref, pos3_ref, idx_ref, table_ref):
    b = pl.program_id(0)
    n_full = pos3_ref.shape[2]
    posT_t = posT_tile_ref[0]
    pos3 = pos3_ref[0]
    table_ref[...] = jnp.concatenate(
        [posT_t, jnp.zeros((posT_t.shape[0], ROWPAD - posT_t.shape[1]),
                           jnp.float32)], axis=1)
    sq_row = jnp.sum(pos3 * pos3, axis=0, keepdims=True)
    sq_col = jnp.sum(posT_t * posT_t, axis=1, keepdims=True)
    dot = jnp.dot(posT_t, pos3, preferred_element_type=jnp.float32)
    d = (sq_col + sq_row) - 2.0 * dot
    col = lax.broadcasted_iota(jnp.int32, d.shape, 1)
    work = d
    cols = []
    for _ in range(NS):
        idx_s = jnp.argmin(work, axis=1).astype(jnp.int32)[:, None]
        cols.append(idx_s)
        work = jnp.where(col == idx_s, jnp.float32(jnp.inf), work)
    idx_ref[...] = jnp.concatenate(cols, axis=1) + b * n_full


def _feat_body(g_ref, aidx_ref, bidx_ref, wq_ref, cvec_ref, out_ref):
    hi = jax.lax.Precision.HIGHEST
    G = g_ref[...]
    tile = G.shape[0]
    a_idx = jnp.broadcast_to(aidx_ref[...], (tile, 3 * NS * NS))
    b_idx = jnp.broadcast_to(bidx_ref[...], (tile, 3 * NS * NS))
    fa = jnp.take_along_axis(G, a_idx, axis=1,
                             mode="promise_in_bounds")
    fb = jnp.take_along_axis(G, b_idx, axis=1,
                             mode="promise_in_bounds")
    f = fa * fb
    out = jnp.dot(f, wq_ref[...], precision=hi,
                  preferred_element_type=jnp.float32)
    out = out + cvec_ref[...]
    out_ref[0] = out.T


def _sc_gather(table, idx_flat):
    n_idx = idx_flat.shape[0]
    info = plsc.get_sparse_core_info()
    nw = info.num_cores * info.num_subcores
    bpw = n_idx // nw
    mesh = plsc.VectorSubcoreMesh(core_axis_name="c", subcore_axis_name="s")

    @functools.partial(
        pl.kernel,
        out_type=jax.ShapeDtypeStruct((n_idx, ROWPAD), jnp.float32),
        mesh=mesh,
        compiler_params=pltpu.CompilerParams(use_tc_tiling_on_sc=False),
        scratch_types=[
            pltpu.VMEM((bpw,), jnp.int32),
            pltpu.VMEM((bpw, ROWPAD), jnp.float32),
            pltpu.SemaphoreType.DMA,
        ],
    )
    def gather_k(table_hbm, idx_hbm, out_hbm, idx_v, rows_v, sem):
        wid = lax.axis_index("s") * info.num_cores + lax.axis_index("c")
        base = wid * bpw
        pltpu.sync_copy(idx_hbm.at[pl.ds(base, bpw)], idx_v)
        pltpu.async_copy(table_hbm.at[idx_v], rows_v, sem).wait()
        pltpu.sync_copy(rows_v, out_hbm.at[pl.ds(base, bpw)])

    return gather_k(table, idx_flat)


def kernel(pos, W1, b1, W2, b2):
    B, C, N = pos.shape
    nt = N // TILE
    pos_t = jnp.transpose(pos, (0, 2, 1))

    idx, table = pl.pallas_call(
        _topk_body,
        grid=(B, nt),
        in_specs=[
            pl.BlockSpec((1, TILE, C), lambda b, t: (b, t, 0)),
            pl.BlockSpec((1, C, N), lambda b, t: (b, 0, 0)),
        ],
        out_specs=[
            pl.BlockSpec((TILE, NS), lambda b, t: (b * nt + t, 0)),
            pl.BlockSpec((TILE, ROWPAD), lambda b, t: (b * nt + t, 0)),
        ],
        out_shape=[
            jax.ShapeDtypeStruct((B * N, NS), jnp.int32),
            jax.ShapeDtypeStruct((B * N, ROWPAD), jnp.float32),
        ],
    )(pos_t, pos)

    rows = _sc_gather(table, idx.reshape(B * N * NS))
    G = rows.reshape(B * N, NS * ROWPAD)

    Wq, cvec = _fuse_weights(W1, b1, W2, b2)
    a_idx, b_idx = _selection_idx()
    mlp1 = W2.shape[0]

    out = pl.pallas_call(
        _feat_body,
        grid=(B, nt),
        in_specs=[
            pl.BlockSpec((TILE, NS * ROWPAD), lambda b, t: (b * nt + t, 0)),
            pl.BlockSpec((1, 3 * NS * NS), lambda b, t: (0, 0)),
            pl.BlockSpec((1, 3 * NS * NS), lambda b, t: (0, 0)),
            pl.BlockSpec((3 * NS * NS, mlp1), lambda b, t: (0, 0)),
            pl.BlockSpec((1, mlp1), lambda b, t: (0, 0)),
        ],
        out_specs=pl.BlockSpec((1, mlp1, TILE), lambda b, t: (b, 0, t)),
        out_shape=jax.ShapeDtypeStruct((B, mlp1, N), jnp.float32),
    )(G, a_idx[None, :], b_idx[None, :], Wq, cvec[None, :])
    return out

# --- scband reference (transcript-rebuilt; emitter-appended) ---
"""Pipeline reference for scband-point-conv-9354438770949 (READ-ONLY COPY).

The authoritative reference and input builder live on the scoring server;
editing this copy changes nothing except your own understanding.
"""

import jax, jax.numpy as jnp
import numpy as np

NSAMPLE = 8

def squeeze_2x2_alt(x):
    # RealNVP-style squeeze_2x2(reverse=False, alt_order=True):
    # channel order per input channel block is positions (0,0),(1,1),(0,1),(1,0),
    # then shuffled so all channels for a given position are contiguous.
    n, c, h, w = x.shape
    x = x.reshape(n, c, h // 2, 2, w // 2, 2)
    p00 = x[:, :, :, 0, :, 0]
    p11 = x[:, :, :, 1, :, 1]
    p01 = x[:, :, :, 0, :, 1]
    p10 = x[:, :, :, 1, :, 0]
    return jnp.concatenate([p00, p11, p01, p10], axis=1)

def conv2d(x, w, b):
    y = jax.lax.conv_general_dilated(x, w, window_strides=(1, 1), padding='VALID',
                                     dimension_numbers=('NCHW', 'OIHW', 'NCHW'))
    return y + b[None, :, None, None]

def setup_inputs(seed: int = 0):
    key = jax.random.key(seed)
    k1, k2, k3 = jax.random.split(key, 3)
    B, C, N = 8, 3, 2048
    mlp0, mlp1 = 128, 256
    in_ch = 2 * C * 4  # 24, matches in_channel*4 with in_channel=2C=6
    pos = jax.random.normal(k1, (B, C, N), dtype=jnp.float32)
    W1 = jax.random.normal(k2, (mlp0, in_ch, 3, 3), dtype=jnp.float32) * (1.0 / np.sqrt(in_ch * 9))
    b1 = jnp.zeros((mlp0,), dtype=jnp.float32)
    W2 = jax.random.normal(k3, (mlp1, mlp0, 2, 2), dtype=jnp.float32) * (1.0 / np.sqrt(mlp0 * 4))
    b2 = jnp.zeros((mlp1,), dtype=jnp.float32)
    return {"pos": pos, "W1": W1, "b1": b1, "W2": W2, "b2": b2}

def reference(pos, W1, b1, W2, b2):
    B, C, N = pos.shape
    ns = NSAMPLE
    pos_t = jnp.transpose(pos, (0, 2, 1))  # [B,N,C]
    # kNN (pointutils.knn): squared euclidean distances, k smallest (includes self)
    sq = jnp.sum(pos_t ** 2, axis=-1)  # [B,N]
    d = sq[:, :, None] + sq[:, None, :] - 2.0 * jnp.einsum('bnc,bmc->bnm', pos_t, pos_t)
    _, idx = jax.lax.top_k(-d, ns)  # [B,N,ns]
    # grouping_operation(pos, idx) -> [B,C,N,ns]
    grouped_t = jax.vmap(lambda p, i: p[i])(pos_t, idx)  # [B,N,ns,C]
    pos_grouped = jnp.transpose(grouped_t, (0, 3, 1, 2))  # [B,C,N,ns]
    pg = pos_grouped[..., None]  # [B,C,N,ns,1]
    corr = jnp.concatenate([pg, jnp.ones_like(pg)], axis=1)  # [B,2C,N,ns,1]
    pg_t = pos_grouped[..., None, :]  # [B,C,N,1,ns]
    corr_t = jnp.concatenate([pg_t, jnp.ones_like(pg_t)], axis=1)  # [B,2C,N,1,ns]
    mat = jnp.matmul(corr, corr_t)  # [B,2C,N,ns,ns]
    mat = jnp.transpose(mat, (0, 2, 1, 3, 4)).reshape(B * N, 2 * C, ns, ns)
    mat = squeeze_2x2_alt(mat)  # [B*N, 8C, ns/2, ns/2]
    h = conv2d(mat, W1, b1)  # [B*N, mlp0, 2, 2]  (no activation in original Sequential)
    h = conv2d(h, W2, b2)    # [B*N, mlp1, 1, 1]
    feats = h.reshape(B, N, -1)
    feats = jnp.transpose(feats, (0, 2, 1))  # [B, mlp1, N]
    return feats

if __name__ == "__main__":
    import jax
    _d = setup_inputs()
    print(jax.jit(kernel)(*tuple(_d.values())))

</pallas_src>

<mosaic_0001>
#map = affine_map<(d0, d1) -> (0, 0)>
#map1 = affine_map<(d0, d1) -> (0)>
module attributes {stable_mosaic.version = 14 : i64} {
  func.func @gather_k(%arg0: i32, %arg1: i32, %arg2: memref<16384x16xf32, #tpu.memory_space<hbm>>, %arg3: memref<131072xi32, #tpu.memory_space<hbm>>, %arg4: memref<131072x16xf32, #tpu.memory_space<hbm>>, %arg5: memref<4096xi32, #tpu.memory_space<vmem>>, %arg6: memref<4096x16xf32, #tpu.memory_space<vmem>>, %arg7: memref<!tpu.dma_semaphore, #tpu.memory_space<semaphore_mem>>) attributes {dimension_semantics = [#tpu.dimension_semantics<core_parallel>, #tpu.dimension_semantics<subcore_parallel>], iteration_bounds = array<i64: 2, 16>, scalar_prefetch = 0 : i64, scratch_operands = 3 : i64, tpu.core_type = #tpu.core_type<sc_vector_subcore>, window_params = [{transform_indices = #map}, {transform_indices = #map1}, {transform_indices = #map}]} {
    %mul3A = arith.constant 2 : i32
    %mul3A_0 = arith.muli %arg1, %mul3A : i32
    %add3A = arith.addi %mul3A_0, %arg0 : i32
    %mul3A_1 = arith.constant 4096 : i32
    %mul3A_2 = arith.muli %add3A, %mul3A_1 : i32
    "tpu.region"() ({
      %run_scoped3A = tpu.sem_alloc : memref<!tpu.dma_semaphore, #tpu.memory_space<semaphore_mem>>
      %dma_start3A_7 = tpu.memref_slice %arg3[%mul3A_2] : memref<131072xi32, #tpu.memory_space<hbm>> -> memref<4096xi32, #tpu.memory_space<hbm>>
      %dma_start3A_8 = tpu.memref_slice %arg3[%mul3A_2] : memref<131072xi32, #tpu.memory_space<hbm>> -> memref<4096xi32, #tpu.memory_space<hbm>>
      tpu.enqueue_dma source(%dma_start3A_8 : memref<4096xi32, #tpu.memory_space<hbm>>) target(%arg5 : memref<4096xi32, #tpu.memory_space<vmem>>) target_semaphore(%run_scoped3A : memref<!tpu.dma_semaphore, #tpu.memory_space<semaphore_mem>>)
      %dma_wait3A_9 = tpu.memref_slice %arg3[%mul3A_2] : memref<131072xi32, #tpu.memory_space<hbm>> -> memref<4096xi32, #tpu.memory_space<hbm>>
      %dma_wait3A_10 = tpu.memref_slice %arg3[%mul3A_2] : memref<131072xi32, #tpu.memory_space<hbm>> -> memref<4096xi32, #tpu.memory_space<hbm>>
      tpu.wait_dma2 semaphore(%run_scoped3A : memref<!tpu.dma_semaphore, #tpu.memory_space<semaphore_mem>>) src(%dma_wait3A_10 : memref<4096xi32, #tpu.memory_space<hbm>>) dst(%arg5 : memref<4096xi32, #tpu.memory_space<vmem>>)
      tpu.yield
    }) : () -> ()
    %dma_start3A = arith.constant 0 : i32
    %dma_start3A_3 = arith.constant 0 : i32
    %dma_start3A_4 = tpu.memref_slice %arg2[%dma_start3A, %dma_start3A_3] : memref<16384x16xf32, #tpu.memory_space<hbm>> -> memref<16384x16xf32, #tpu.memory_space<hbm>>
    tpu.enqueue_indirect_dma source(%dma_start3A_4 : memref<16384x16xf32, #tpu.memory_space<hbm>>) target(%arg6 : memref<4096x16xf32, #tpu.memory_space<vmem>>) offsets(%arg5 : memref<4096xi32, #tpu.memory_space<vmem>>) semaphore(%arg7 : memref<!tpu.dma_semaphore, #tpu.memory_space<semaphore_mem>>)
    %dma_wait3A = arith.constant 0 : i32
    %dma_wait3A_5 = arith.constant 0 : i32
    %dma_wait3A_6 = tpu.memref_slice %arg2[%dma_wait3A, %dma_wait3A_5] : memref<16384x16xf32, #tpu.memory_space<hbm>> -> memref<16384x16xf32, #tpu.memory_space<hbm>>
    tpu.wait_indirect_dma semaphore(%arg7 : memref<!tpu.dma_semaphore, #tpu.memory_space<semaphore_mem>>) src(%dma_wait3A_6 : memref<16384x16xf32, #tpu.memory_space<hbm>>) dst(%arg6 : memref<4096x16xf32, #tpu.memory_space<vmem>>)
    "tpu.region"() ({
      %run_scoped3A = tpu.sem_alloc : memref<!tpu.dma_semaphore, #tpu.memory_space<semaphore_mem>>
      %dma_start3A_7 = arith.constant 0 : i32
      %dma_start3A_8 = tpu.memref_slice %arg4[%mul3A_2, %dma_start3A_7] : memref<131072x16xf32, #tpu.memory_space<hbm>> -> memref<4096x16xf32, #tpu.memory_space<hbm>>
      %dma_start3A_9 = arith.constant 0 : i32
      %dma_start3A_10 = tpu.memref_slice %arg4[%mul3A_2, %dma_start3A_9] : memref<131072x16xf32, #tpu.memory_space<hbm>> -> memref<4096x16xf32, #tpu.memory_space<hbm>>
      tpu.enqueue_dma source(%arg6 : memref<4096x16xf32, #tpu.memory_space<vmem>>) target(%dma_start3A_10 : memref<4096x16xf32, #tpu.memory_space<hbm>>) target_semaphore(%run_scoped3A : memref<!tpu.dma_semaphore, #tpu.memory_space<semaphore_mem>>)
      %dma_wait3A_11 = arith.constant 0 : i32
      %dma_wait3A_12 = tpu.memref_slice %arg4[%mul3A_2, %dma_wait3A_11] : memref<131072x16xf32, #tpu.memory_space<hbm>> -> memref<4096x16xf32, #tpu.memory_space<hbm>>
      %dma_wait3A_13 = arith.constant 0 : i32
      %dma_wait3A_14 = tpu.memref_slice %arg4[%mul3A_2, %dma_wait3A_13] : memref<131072x16xf32, #tpu.memory_space<hbm>> -> memref<4096x16xf32, #tpu.memory_space<hbm>>
      tpu.wait_dma2 semaphore(%run_scoped3A : memref<!tpu.dma_semaphore, #tpu.memory_space<semaphore_mem>>) src(%arg6 : memref<4096x16xf32, #tpu.memory_space<vmem>>) dst(%dma_wait3A_14 : memref<4096x16xf32, #tpu.memory_space<hbm>>)
      tpu.yield
    }) : () -> ()
    return
  }
}

module attributes {stable_mosaic.version = 14 : i64} {
  func.func @_topk_body(%arg0: i32, %arg1: i32, %arg2: memref<1x1024x3xf32, #tpu.memory_space<vmem>>, %arg3: memref<1x3x2048xf32, #tpu.memory_space<vmem>>, %arg4: memref<1024x8xi32, #tpu.memory_space<vmem>>, %arg5: memref<1024x16xf32, #tpu.memory_space<vmem>>) attributes {dimension_semantics = [#tpu.dimension_semantics<arbitrary>, #tpu.dimension_semantics<arbitrary>], iteration_bounds = array<i64: 8, 2>, scalar_prefetch = 0 : i64, scratch_operands = 0 : i64, tpu.core_type = #tpu.core_type<tc>, window_params = [{transform_indices = @transform_0, window_bounds = array<i64: 1, 1024, 3>}, {transform_indices = @transform_1, window_bounds = array<i64: 1, 3, 2048>}, {transform_indices = @transform_2, window_bounds = array<i64: 1024, 8>}, {transform_indices = @transform_3, window_bounds = array<i64: 1024, 16>}]} {
    %get3A = arith.constant 0 : index
    %get3A_0 = arith.constant 0 : index
    %get3A_1 = arith.constant 0 : index
    %get3A_2 = vector.load %arg2[%get3A, %get3A_0, %get3A_1] : memref<1x1024x3xf32, #tpu.memory_space<vmem>>, vector<1x1024x3xf32>
    %get3A_3 = vector.shape_cast %get3A_2 : vector<1x1024x3xf32> to vector<1024x3xf32>
    %get3A_4 = arith.constant 0 : index
    %get3A_5 = arith.constant 0 : index
    %get3A_6 = arith.constant 0 : index
    %get3A_7 = vector.load %arg3[%get3A_4, %get3A_5, %get3A_6] : memref<1x3x2048xf32, #tpu.memory_space<vmem>>, vector<1x3x2048xf32>
    %get3A_8 = vector.shape_cast %get3A_7 : vector<1x3x2048xf32> to vector<3x2048xf32>
    %broadcast_in_dim3A = arith.constant 0.000000e+00 : f32
    %broadcast_in_dim3A_9 = vector.broadcast %broadcast_in_dim3A : f32 to vector<1024x13xf32>
    %concatenate3A = tpu.concatenate %get3A_3, %broadcast_in_dim3A_9 in 1 : vector<1024x3xf32>, vector<1024x13xf32> -> vector<1024x16xf32>
    %swap3A = arith.constant 0 : index
    %swap3A_10 = arith.constant 0 : index
    %swap3A_11 = vector.load %arg5[%swap3A, %swap3A_10] : memref<1024x16xf32, #tpu.memory_space<vmem>>, vector<1024x16xf32>
    tpu.vector_store %arg5[%swap3A, %swap3A_10], %concatenate3A {strides = array<i32>} : memref<1024x16xf32, #tpu.memory_space<vmem>>, vector<1024x16xf32>,
    %mul3A = arith.mulf %get3A_8, %get3A_8 : vector<3x2048xf32>
    %reduce_sum3A = arith.constant dense<0.000000e+00> : vector<2048xf32>
    %reduce_sum3A_12 = vector.multi_reduction <add>, %mul3A, %reduce_sum3A [0] : vector<3x2048xf32> to vector<2048xf32>
    %broadcast_in_dim3A_13 = vector.shape_cast %reduce_sum3A_12 : vector<2048xf32> to vector<1x2048xf32>
    %mul3A_14 = arith.mulf %get3A_3, %get3A_3 : vector<1024x3xf32>
    %reduce_sum3A_15 = arith.constant dense<0.000000e+00> : vector<1024xf32>
    %reduce_sum3A_16 = vector.multi_reduction <add>, %mul3A_14, %reduce_sum3A_15 [1] : vector<1024x3xf32> to vector<1024xf32>
    %broadcast_in_dim3A_17 = vector.shape_cast %reduce_sum3A_16 : vector<1024xf32> to vector<1024x1xf32>
    %dot_general3A = arith.constant dense<0.000000e+00> : vector<1024x2048xf32>
    %dot_general3A_18 = tpu.matmul %get3A_3, %get3A_8, %dot_general3A {dimension_numbers = #tpu.dot_dimension_numbers<[1], [0], [0], [1], [0, 0, 1, 1], [], []>, transpose_lhs_hint = false} : vector<1024x3xf32>, vector<3x2048xf32>, vector<1024x2048xf32> -> vector<1024x2048xf32>
    %add3A = vector.broadcast %broadcast_in_dim3A_17 : vector<1024x1xf32> to vector<1024x2048xf32>
    %add3A_19 = vector.broadcast %broadcast_in_dim3A_13 : vector<1x2048xf32> to vector<1024x2048xf32>
    %add3A_20 = arith.addf %add3A, %add3A_19 : vector<1024x2048xf32>
    %mul3A_21 = arith.constant 2.000000e+00 : f32
    %mul3A_22 = vector.broadcast %mul3A_21 : f32 to vector<1024x2048xf32>
    %mul3A_23 = arith.mulf %mul3A_22, %dot_general3A_18 : vector<1024x2048xf32>
    %sub3A = arith.subf %add3A_20, %mul3A_23 : vector<1024x2048xf32>
    %iota3A = tpu.iota {dimensions = array<i32: 1>} : vector<1024x2048xi32>
    %argmin3A = tpu.reduce_index %sub3A {axis = 1 : i32, kind = #tpu.reduction_kind<arg_min>} : vector<1024x2048xf32> -> vector<1024xi32>
    %broadcast_in_dim3A_24 = vector.shape_cast %argmin3A : vector<1024xi32> to vector<1024x1xi32>
    %eq3A = vector.broadcast %broadcast_in_dim3A_24 : vector<1024x1xi32> to vector<1024x2048xi32>
    %eq3A_25 = arith.cmpi eq, %iota3A, %eq3A : vector<1024x2048xi32>
    %jit3A = arith.constant 0x7F800000 : f32
    %broadcast_in_dim3A_26 = vector.broadcast %jit3A : f32 to vector<1024x2048xf32>
    %select_n3A = arith.select %eq3A_25, %broadcast_in_dim3A_26, %sub3A : vector<1024x2048xi1>, vector<1024x2048xf32>
    %argmin3A_27 = tpu.reduce_index %select_n3A {axis = 1 : i32, kind = #tpu.reduction_kind<arg_min>} : vector<1024x2048xf32> -> vector<1024xi32>
    %broadcast_in_dim3A_28 = vector.shape_cast %argmin3A_27 : vector<1024xi32> to vector<1024x1xi32>
    %eq3A_29 = vector.broadcast %broadcast_in_dim3A_28 : vector<1024x1xi32> to vector<1024x2048xi32>
    %eq3A_30 = arith.cmpi eq, %iota3A, %eq3A_29 : vector<1024x2048xi32>
    %jit3A_31 = arith.constant 0x7F800000 : f32
    %broadcast_in_dim3A_32 = vector.broadcast %jit3A_31 : f32 to vector<1024x2048xf32>
    %select_n3A_33 = arith.select %eq3A_30, %broadcast_in_dim3A_32, %select_n3A : vector<1024x2048xi1>, vector<1024x2048xf32>
    %argmin3A_34 = tpu.reduce_index %select_n3A_33 {axis = 1 : i32, kind = #tpu.reduction_kind<arg_min>} : vector<1024x2048xf32> -> vector<1024xi32>
    %broadcast_in_dim3A_35 = vector.shape_cast %argmin3A_34 : vector<1024xi32> to vector<1024x1xi32>
    %eq3A_36 = vector.broadcast %broadcast_in_dim3A_35 : vector<1024x1xi32> to vector<1024x2048xi32>
    %eq3A_37 = arith.cmpi eq, %iota3A, %eq3A_36 : vector<1024x2048xi32>
    %jit3A_38 = arith.constant 0x7F800000 : f32
    %broadcast_in_dim3A_39 = vector.broadcast %jit3A_38 : f32 to vector<1024x2048xf32>
    %select_n3A_40 = arith.select %eq3A_37, %broadcast_in_dim3A_39, %select_n3A_33 : vector<1024x2048xi1>, vector<1024x2048xf32>
    %argmin3A_41 = tpu.reduce_index %select_n3A_40 {axis = 1 : i32, kind = #tpu.reduction_kind<arg_min>} : vector<1024x2048xf32> -> vector<1024xi32>
    %broadcast_in_dim3A_42 = vector.shape_cast %argmin3A_41 : vector<1024xi32> to vector<1024x1xi32>
    %eq3A_43 = vector.broadcast %broadcast_in_dim3A_42 : vector<1024x1xi32> to vector<1024x2048xi32>
    %eq3A_44 = arith.cmpi eq, %iota3A, %eq3A_43 : vector<1024x2048xi32>
    %jit3A_45 = arith.constant 0x7F800000 : f32
    %broadcast_in_dim3A_46 = vector.broadcast %jit3A_45 : f32 to vector<1024x2048xf32>
    %select_n3A_47 = arith.select %eq3A_44, %broadcast_in_dim3A_46, %select_n3A_40 : vector<1024x2048xi1>, vector<1024x2048xf32>
    %argmin3A_48 = tpu.reduce_index %select_n3A_47 {axis = 1 : i32, kind = #tpu.reduction_kind<arg_min>} : vector<1024x2048xf32> -> vector<1024xi32>
    %broadcast_in_dim3A_49 = vector.shape_cast %argmin3A_48 : vector<1024xi32> to vector<1024x1xi32>
    %eq3A_50 = vector.broadcast %broadcast_in_dim3A_49 : vector<1024x1xi32> to vector<1024x2048xi32>
    %eq3A_51 = arith.cmpi eq, %iota3A, %eq3A_50 : vector<1024x2048xi32>
    %jit3A_52 = arith.constant 0x7F800000 : f32
    %broadcast_in_dim3A_53 = vector.broadcast %jit3A_52 : f32 to vector<1024x2048xf32>
    %select_n3A_54 = arith.select %eq3A_51, %broadcast_in_dim3A_53, %select_n3A_47 : vector<1024x2048xi1>, vector<1024x2048xf32>
    %argmin3A_55 = tpu.reduce_index %select_n3A_54 {axis = 1 : i32, kind = #tpu.reduction_kind<arg_min>} : vector<1024x2048xf32> -> vector<1024xi32>
    %broadcast_in_dim3A_56 = vector.shape_cast %argmin3A_55 : vector<1024xi32> to vector<1024x1xi32>
    %eq3A_57 = vector.broadcast %broadcast_in_dim3A_56 : vector<1024x1xi32> to vector<1024x2048xi32>
    %eq3A_58 = arith.cmpi eq, %iota3A, %eq3A_57 : vector<1024x2048xi32>
    %jit3A_59 = arith.constant 0x7F800000 : f32
    %broadcast_in_dim3A_60 = vector.broadcast %jit3A_59 : f32 to vector<1024x2048xf32>
    %select_n3A_61 = arith.select %eq3A_58, %broadcast_in_dim3A_60, %select_n3A_54 : vector<1024x2048xi1>, vector<1024x2048xf32>
    %argmin3A_62 = tpu.reduce_index %select_n3A_61 {axis = 1 : i32, kind = #tpu.reduction_kind<arg_min>} : vector<1024x2048xf32> -> vector<1024xi32>
    %broadcast_in_dim3A_63 = vector.shape_cast %argmin3A_62 : vector<1024xi32> to vector<1024x1xi32>
    %eq3A_64 = vector.broadcast %broadcast_in_dim3A_63 : vector<1024x1xi32> to vector<1024x2048xi32>
    %eq3A_65 = arith.cmpi eq, %iota3A, %eq3A_64 : vector<1024x2048xi32>
    %jit3A_66 = arith.constant 0x7F800000 : f32
    %broadcast_in_dim3A_67 = vector.broadcast %jit3A_66 : f32 to vector<1024x2048xf32>
    %select_n3A_68 = arith.select %eq3A_65, %broadcast_in_dim3A_67, %select_n3A_61 : vector<1024x2048xi1>, vector<1024x2048xf32>
    %argmin3A_69 = tpu.reduce_index %select_n3A_68 {axis = 1 : i32, kind = #tpu.reduction_kind<arg_min>} : vector<1024x2048xf32> -> vector<1024xi32>
    %broadcast_in_dim3A_70 = vector.shape_cast %argmin3A_69 : vector<1024xi32> to vector<1024x1xi32>
    %concatenate3A_71 = tpu.concatenate %broadcast_in_dim3A_24, %broadcast_in_dim3A_28, %broadcast_in_dim3A_35, %broadcast_in_dim3A_42, %broadcast_in_dim3A_49, %broadcast_in_dim3A_56, %broadcast_in_dim3A_63, %broadcast_in_dim3A_70 in 1 : vector<1024x1xi32>, vector<1024x1xi32>, vector<1024x1xi32>, vector<1024x1xi32>, vector<1024x1xi32>, vector<1024x1xi32>, vector<1024x1xi32>, vector<1024x1xi32> -> vector<1024x8xi32>
    %mul3A_72 = arith.constant 2048 : i32
    %mul3A_73 = arith.muli %arg0, %mul3A_72 : i32
    %add3A_74 = vector.broadcast %mul3A_73 : i32 to vector<1024x8xi32>
    %add3A_75 = arith.addi %concatenate3A_71, %add3A_74 : vector<1024x8xi32>
    %swap3A_76 = arith.constant 0 : index
    %swap3A_77 = arith.constant 0 : index
    %swap3A_78 = vector.load %arg4[%swap3A_76, %swap3A_77] : memref<1024x8xi32, #tpu.memory_space<vmem>>, vector<1024x8xi32>
    tpu.vector_store %arg4[%swap3A_76, %swap3A_77], %add3A_75 {strides = array<i32>} : memref<1024x8xi32, #tpu.memory_space<vmem>>, vector<1024x8xi32>,
    return
  }
  func.func @transform_0(%arg0: i32, %arg1: i32) -> (i32, i32, i32) {
    %c0_i32 = arith.constant 0 : i32
    %c0_i32_0 = arith.constant 0 : i32
    return %arg0, %arg1, %c0_i32 : i32, i32, i32
  }
  func.func @transform_1(%arg0: i32, %arg1: i32) -> (i32, i32, i32) {
    %c0_i32 = arith.constant 0 : i32
    %c0_i32_0 = arith.constant 0 : i32
    %c0_i32_1 = arith.constant 0 : i32
    return %arg0, %c0_i32, %c0_i32_0 : i32, i32, i32
  }
  func.func @transform_2(%arg0: i32, %arg1: i32) -> (i32, i32) {
    %mul3A = arith.constant 2 : i32
    %mul3A_0 = arith.muli %arg0, %mul3A : i32
    %add3A = arith.addi %mul3A_0, %arg1 : i32
    %c0_i32 = arith.constant 0 : i32
    %c0_i32_1 = arith.constant 0 : i32
    return %add3A, %c0_i32 : i32, i32
  }
  func.func @transform_3(%arg0: i32, %arg1: i32) -> (i32, i32) {
    %mul3A = arith.constant 2 : i32
    %mul3A_0 = arith.muli %arg0, %mul3A : i32
    %add3A = arith.addi %mul3A_0, %arg1 : i32
    %c0_i32 = arith.constant 0 : i32
    %c0_i32_1 = arith.constant 0 : i32
    return %add3A, %c0_i32 : i32, i32
  }
}

module attributes {stable_mosaic.version = 14 : i64} {
  func.func @_feat_body(%arg0: i32, %arg1: i32, %arg2: memref<1024x128xf32, #tpu.memory_space<vmem>>, %arg3: memref<1x192xi32, #tpu.memory_space<vmem>>, %arg4: memref<1x192xi32, #tpu.memory_space<vmem>>, %arg5: memref<192x256xf32, #tpu.memory_space<vmem>>, %arg6: memref<1x256xf32, #tpu.memory_space<vmem>>, %arg7: memref<1x256x1024xf32, #tpu.memory_space<vmem>>) attributes {dimension_semantics = [#tpu.dimension_semantics<arbitrary>, #tpu.dimension_semantics<arbitrary>], iteration_bounds = array<i64: 8, 2>, scalar_prefetch = 0 : i64, scratch_operands = 0 : i64, tpu.core_type = #tpu.core_type<tc>, window_params = [{transform_indices = @transform_0, window_bounds = array<i64: 1024, 128>}, {pipeline_mode = #tpu.pipeline_mode<synchronous>, transform_indices = @transform_1, window_bounds = array<i64: 1, 192>}, {pipeline_mode = #tpu.pipeline_mode<synchronous>, transform_indices = @transform_2, window_bounds = array<i64: 1, 192>}, {pipeline_mode = #tpu.pipeline_mode<synchronous>, transform_indices = @transform_3, window_bounds = array<i64: 192, 256>}, {pipeline_mode = #tpu.pipeline_mode<synchronous>, transform_indices = @transform_4, window_bounds = array<i64: 1, 256>}, {transform_indices = @transform_5, window_bounds = array<i64: 1, 256, 1024>}]} {
    %get3A = arith.constant 0 : index
    %get3A_0 = arith.constant 0 : index
    %get3A_1 = vector.load %arg2[%get3A, %get3A_0] : memref<1024x128xf32, #tpu.memory_space<vmem>>, vector<1024x128xf32>
    %get3A_2 = arith.constant 0 : index
    %get3A_3 = arith.constant 0 : index
    %get3A_4 = vector.load %arg3[%get3A_2, %get3A_3] : memref<1x192xi32, #tpu.memory_space<vmem>>, vector<1x192xi32>
    %broadcast_in_dim3A = vector.shape_cast %get3A_4 : vector<1x192xi32> to vector<1x192xi32>
    %broadcast_in_dim3A_5 = vector.broadcast %broadcast_in_dim3A : vector<1x192xi32> to vector<1024x192xi32>
    %get3A_6 = arith.constant 0 : index
    %get3A_7 = arith.constant 0 : index
    %get3A_8 = vector.load %arg4[%get3A_6, %get3A_7] : memref<1x192xi32, #tpu.memory_space<vmem>>, vector<1x192xi32>
    %broadcast_in_dim3A_9 = vector.shape_cast %get3A_8 : vector<1x192xi32> to vector<1x192xi32>
    %broadcast_in_dim3A_10 = vector.broadcast %broadcast_in_dim3A_9 : vector<1x192xi32> to vector<1024x192xi32>
    %reshape3A = vector.shape_cast %broadcast_in_dim3A_5 : vector<1024x192xi32> to vector<1024x192x1xi32>
    %gather3A = vector.shape_cast %reshape3A : vector<1024x192x1xi32> to vector<1024x192xi32>
    %gather3A_11 = tpu.dynamic_gather %get3A_1[%gather3A] in [1] : vector<1024x128xf32>, vector<1024x192xi32> -> vector<1024x192xf32>
    %reshape3A_12 = vector.shape_cast %broadcast_in_dim3A_10 : vector<1024x192xi32> to vector<1024x192x1xi32>
    %gather3A_13 = vector.shape_cast %reshape3A_12 : vector<1024x192x1xi32> to vector<1024x192xi32>
    %gather3A_14 = tpu.dynamic_gather %get3A_1[%gather3A_13] in [1] : vector<1024x128xf32>, vector<1024x192xi32> -> vector<1024x192xf32>
    %mul3A = arith.mulf %gather3A_11, %gather3A_14 : vector<1024x192xf32>
    %get3A_15 = arith.constant 0 : index
    %get3A_16 = arith.constant 0 : index
    %get3A_17 = vector.load %arg5[%get3A_15, %get3A_16] : memref<192x256xf32, #tpu.memory_space<vmem>>, vector<192x256xf32>
    %dot_general3A = arith.constant dense<0.000000e+00> : vector<1024x256xf32>
    %dot_general3A_18 = tpu.matmul %mul3A, %get3A_17, %dot_general3A {dimension_numbers = #tpu.dot_dimension_numbers<[1], [0], [0], [1], [0, 0, 1, 1], [], []>, precision = #tpu.contract_precision<fp32>, transpose_lhs_hint = false} : vector<1024x192xf32>, vector<192x256xf32>, vector<1024x256xf32> -> vector<1024x256xf32>
    %get3A_19 = arith.constant 0 : index
    %get3A_20 = arith.constant 0 : index
    %get3A_21 = vector.load %arg6[%get3A_19, %get3A_20] : memref<1x256xf32, #tpu.memory_space<vmem>>, vector<1x256xf32>
    %add3A = vector.broadcast %get3A_21 : vector<1x256xf32> to vector<1024x256xf32>
    %add3A_22 = arith.addf %dot_general3A_18, %add3A : vector<1024x256xf32>
    %transpose3A = tpu.transpose %add3A_22, [1, 0] : vector<1024x256xf32> -> vector<256x1024xf32>
    %swap3A = arith.constant 0 : index
    %swap3A_23 = arith.constant 0 : index
    %swap3A_24 = arith.constant 0 : index
    %swap3A_25 = vector.load %arg7[%swap3A, %swap3A_23, %swap3A_24] : memref<1x256x1024xf32, #tpu.memory_space<vmem>>, vector<1x256x1024xf32>
    %swap3A_26 = vector.shape_cast %swap3A_25 : vector<1x256x1024xf32> to vector<256x1024xf32>
    %swap3A_27 = vector.shape_cast %transpose3A : vector<256x1024xf32> to vector<1x256x1024xf32>
    tpu.vector_store %arg7[%swap3A, %swap3A_23, %swap3A_24], %swap3A_27 {strides = array<i32>} : memref<1x256x1024xf32, #tpu.memory_space<vmem>>, vector<1x256x1024xf32>,
    return
  }
  func.func @transform_0(%arg0: i32, %arg1: i32) -> (i32, i32) {
    %mul3A = arith.constant 2 : i32
    %mul3A_0 = arith.muli %arg0, %mul3A : i32
    %add3A = arith.addi %mul3A_0, %arg1 : i32
    %c0_i32 = arith.constant 0 : i32
    %c0_i32_1 = arith.constant 0 : i32
    return %add3A, %c0_i32 : i32, i32
  }
  func.func @transform_1(%arg0: i32, %arg1: i32) -> (i32, i32) {
    %c0_i32 = arith.constant 0 : i32
    %c0_i32_0 = arith.constant 0 : i32
    %c0_i32_1 = arith.constant 0 : i32
    return %c0_i32, %c0_i32_0 : i32, i32
  }
  func.func @transform_2(%arg0: i32, %arg1: i32) -> (i32, i32) {
    %c0_i32 = arith.constant 0 : i32
    %c0_i32_0 = arith.constant 0 : i32
    %c0_i32_1 = arith.constant 0 : i32
    return %c0_i32, %c0_i32_0 : i32, i32
  }
  func.func @transform_3(%arg0: i32, %arg1: i32) -> (i32, i32) {
    %c0_i32 = arith.constant 0 : i32
    %c0_i32_0 = arith.constant 0 : i32
    %c0_i32_1 = arith.constant 0 : i32
    return %c0_i32, %c0_i32_0 : i32, i32
  }
  func.func @transform_4(%arg0: i32, %arg1: i32) -> (i32, i32) {
    %c0_i32 = arith.constant 0 : i32
    %c0_i32_0 = arith.constant 0 : i32
    %c0_i32_1 = arith.constant 0 : i32
    return %c0_i32, %c0_i32_0 : i32, i32
  }
  func.func @transform_5(%arg0: i32, %arg1: i32) -> (i32, i32, i32) {
    %c0_i32 = arith.constant 0 : i32
    %c0_i32_0 = arith.constant 0 : i32
    return %arg0, %c0_i32, %arg1 : i32, i32, i32
  }
}

</mosaic_0001>

<sc_bundles>
// kernel: kernel.5.cloned.1.call-start
scs
__scs_entry_jumppad:
0x0: {  	(pc) =	sbr.rel $0x88, $3  }
0x1: {  	(tag) =	ssettag $0x0;
	lr =	simm.s32 $0x1  }
0x2: {  	[smem:$0x3F9C] =	sst lr;
	_ =	strace $0xD0000000  }
0x3: {  	_ = 	snop  }
0x4: {  	_ = 	snop  }
0x5: {  	_ = 	snop  }
0x6: {  	_ = 	snop  }
0x7: {  	_ = 	snop  }
__scs_overlays_trampoline_lowered:
0x8: {  	[smem:$0x3FAB] =	sst s0  }
0x9: {  	[smem:$0x3FAC] =	sst s1  }
0xa: {  	[smem:$0x3FAD] =	sst s2  }
0xb: {  	[smem:$0x3FAE] =	sst s3  }
0xc: {  	[smem:$0x3FAF] =	sst s4  }
0xd: {  	[smem:$0x3FB0] =	sst s5  }
0xe: {  	[smem:$0x3FB1] =	sst s6  }
0xf: {  	[smem:$0x3FB2] =	sst s7  }
0x10: {  	[smem:$0x3FB3] =	sst s8  }
0x11: {  	[smem:$0x3FB4] =	sst s9;
	s0 =	simm.s32 @!p0 $0x0  }
0x12: {  	s1 =	sld [smem:$0x3F9A];
	s0 =	simm.s32 @p0 $0x1  }
0x13: {  	[smem:$0x3FB5] =	sst s0;
	s0 =	simm.s32 @!p1 $0x0  }
0x14: {  	s2 =	sld [smem:$0x3F99];
	s0 =	simm.s32 @p1 $0x1  }
0x15: {  	[smem:$0x3FB6] =	sst s0;
	s0 =	simm.s32 @!p2 $0x0  }
0x16: {  	s3 =	sld [smem:$0x3FDB];
	s0 =	simm.s32 @p2 $0x1  }
0x17: {  	s4 =	simm.s32 $0x1BF5;
	[smem:$0x3FB8] =	sst s0  }
0x18: {  	s0 =	sld [smem:$0x3F9B];
	_ =	swait.ge [sflag:s4], $0x0  }
0x19: {  	s7 =	sld [smem:$0x3F9C]  }
0x1a: {  	s8 =	sadd.s32 $0xFFFFE003, lr  }
0x1b: {  	s9 =	sadd.s32 $0xFFFFFEF7, lr;
	s5 =	simm.s32 $0xFFFFFFFF;
	p2 =	slt.u32 s8, $0xFFFFF086  }
0x1c: {  	p1 =	slt.u32 s9, $0xF7A;
	s5 =	simm.s32 @!p2 $0x0  }
0x1d: {  	s5 =	simm.s32 @p1 $0x1;
	p0 =	seq.s32 s7, s2  }
0x1e: {  	s7 =	smul.u32 @!p0 $0xF7A, s2;
	p2 =	seq.s32 @!p0 s5, $0x0  }
0x1f: {  	s9 =	smul.u32 $0xF7A, s1;
	s8 =	simm.s32 @!p0 $0x1BF5;
	p2 =	por !p2, p0  }
0x20: {  	[sflag:s8] =	ssyncset.s32 @!p0 $0xFFFFF086;
	s6 =	sadd.s32 @!p0 s3, s7;
	s7 =	simm.s32 @!p0 $0x108  }
0x21: {  	s3 =	sadd.s32 s3, s9;
	s6 =	sadd.s32 @!p0 $0x88, s6;
	s7 =	simm.s32 @p2 $0x1082  }
0x22: {  	[simem:s7], [sflag:s8] =	dma.local @!p0 [hbm:s6], $0xF7A  }
0x23: {  	s9 =	sor.u32 $0xD0000000, s2;
	s6 =	simm.s32 $0x108;
	_ =	swait.ge @!p0 [sflag:s8], $0x0  }
0x24: {  	s3 =	sadd.s32 $0x88, s3;
	s6 =	simm.s32 @!p1 $0x1082;
	[sflag:s4] =	ssyncset.s32 $0xFFFFF086  }
0x25: {  	[simem:s6], [sflag:s4] =	dma.local [hbm:s3], $0xF7A  }
0x26: {  	[smem:$0x3F9C] =	sst s1;
	(tag) =	ssettag s2;
	_ =	strace s9  }
0x27: {  	s1 =	sld [smem:$0x3FAC]  }
0x28: {  	s2 =	sld [smem:$0x3FAD]  }
0x29: {  	s4 =	sld [smem:$0x3FAF]  }
0x2a: {  	p0 =	seq.s32 s5, $0x0;
	s5 =	sld [smem:$0x3FB0]  }
0x2b: {  	s6 =	sld [smem:$0x3FB1]  }
0x2c: {  	s7 =	sld [smem:$0x3FB2]  }
0x2d: {  	s3 =	simm.s32 $0x108;
	s8 =	sld [smem:$0x3FB3]  }
0x2e: {  	s3 =	simm.s32 @!p0 $0x1082;
	s9 =	sld [smem:$0x3FB4]  }
0x2f: {  	lr =	sadd.s32 s0, s3;
	s0 =	sld [smem:$0x3FAB]  }
0x30: {  	s3 =	sld [smem:$0x3FAE]  }
0x31: {  	[smem:$0x3FB7] =	sst s10  }
0x32: {  	s10 =	sld [smem:$0x3FB5];
	_ =	sdelay $0x3  }
0x33: {  	p0 =	seq.s32 s10, $0x1;
	s10 =	sld [smem:$0x3FB7];
	_ =	sdelay $0x3  }
0x34: {  	[smem:$0x3FB7] =	sst s10  }
0x35: {  	s10 =	sld [smem:$0x3FB6];
	_ =	sdelay $0x3  }
0x36: {  	p1 =	seq.s32 s10, $0x1;
	s10 =	sld [smem:$0x3FB7];
	_ =	sdelay $0x3  }
0x37: {  	[smem:$0x3FB7] =	sst s10  }
0x38: {  	s10 =	sld [smem:$0x3FB8]  }
0x39: {  	_ = 	snop;
	(pc) =	sbr.ind lr, $3  }
0x3a: {  	_ = 	snop  }
0x3b: {  	_ = 	snop  }
0x3c: {  	p2 =	seq.s32 s10, $0x1;
	s10 =	sld [smem:$0x3FB7]  }
0x3d: {  	_ =	shalt  }
0x3e: {  	_ =	shalt  }
0x3f: {  	_ =	shalt  }
0x40: {  	_ =	shalt  }
0x41: {  	_ =	shalt  }
0x42: {  	_ =	shalt  }
0x43: {  	_ =	shalt  }
0x44: {  	_ =	shalt  }
0x45: {  	_ =	shalt  }
0x46: {  	_ =	shalt  }
0x47: {  	_ =	shalt  }
0x48: {  	_ =	shalt  }
0x49: {  	_ =	shalt  }
0x4a: {  	_ =	shalt  }
0x4b: {  	_ =	shalt  }
0x4c: {  	_ =	shalt  }
0x4d: {  	_ =	shalt  }
0x4e: {  	_ =	shalt  }
0x4f: {  	_ =	shalt  }
0x50: {  	_ =	shalt  }
0x51: {  	_ =	shalt  }
0x52: {  	_ =	shalt  }
0x53: {  	_ =	shalt  }
0x54: {  	_ =	shalt  }
0x55: {  	_ =	shalt  }
0x56: {  	_ =	shalt  }
0x57: {  	_ =	shalt  }
0x58: {  	_ =	shalt  }
0x59: {  	_ =	shalt  }
0x5a: {  	_ =	shalt  }
0x5b: {  	_ =	shalt  }
0x5c: {  	_ =	shalt  }
0x5d: {  	_ =	shalt  }
0x5e: {  	_ =	shalt  }
0x5f: {  	_ =	shalt  }
0x60: {  	_ =	shalt  }
0x61: {  	_ =	shalt  }
0x62: {  	_ =	shalt  }
0x63: {  	_ =	shalt  }
0x64: {  	_ =	shalt  }
0x65: {  	_ =	shalt  }
0x66: {  	_ =	shalt  }
0x67: {  	_ =	shalt  }
0x68: {  	_ =	shalt  }
0x69: {  	_ =	shalt  }
0x6a: {  	_ =	shalt  }
0x6b: {  	_ =	shalt  }
0x6c: {  	_ =	shalt  }
0x6d: {  	_ =	shalt  }
0x6e: {  	_ =	shalt  }
0x6f: {  	_ =	shalt  }
0x70: {  	_ =	shalt  }
0x71: {  	_ =	shalt  }
0x72: {  	_ =	shalt  }
0x73: {  	_ =	shalt  }
0x74: {  	_ =	shalt  }
0x75: {  	_ =	shalt  }
0x76: {  	_ =	shalt  }
0x77: {  	_ =	shalt  }
0x78: {  	_ =	shalt  }
0x79: {  	_ =	shalt  }
0x7a: {  	_ =	shalt  }
0x7b: {  	_ =	shalt  }
0x7c: {  	_ =	shalt  }
0x7d: {  	_ =	shalt  }
0x7e: {  	_ =	shalt  }
0x7f: {  	_ =	shalt  }
0x80: {  	_ =	shalt  }
0x81: {  	_ =	shalt  }
0x82: {  	_ =	shalt  }
0x83: {  	_ =	shalt  }
0x84: {  	_ =	shalt  }
0x85: {  	_ =	shalt  }
0x86: {  	_ =	shalt  }
0x87: {  	_ =	shalt  }
.Lfunc_end0:
.L_simem_size_0:
called_computation_lowered:
.L_overlay_start_0:
0x88: {  	s2 =	sld [smem:$0x3FD9]  }
0x89: {  	s3 =	sld [smem:$0x3FFE];
	_ =	sdelay $0x1  }
0x8a: {  	s1 =	srdreg.scid  }
0x8b: {  	s0 =	sand.u32 $0x1, s1  }
0x8c: {  	s17 =	sshll.u32 s0, $0xA;
	s2 =	sadd.s32 s3, s2  }
0x8d: {  	s2 =	sadd.s32 s2, s17  }
0x8e: {  	[smem:$0x3FC3] =	sst s2  }
0x8f: {  	_ = 	snop  }
0x90: {  	s2 =	sld [smem:$0x3FD0];
	(tm) =	ssettm $0x1  }
0x91: {  	s18 =	sld [smem:$0x3FFB];
	_ =	sdelay $0x3  }
0x92: {  	_ =	strace s18  }
0x93: {  	s3 =	sld [smem:$0x3FFC];
	_ =	sdelay $0x3  }
0x94: {  	_ =	strace s3  }
0x95: {  	s3 =	sld [smem:$0x3FFD];
	_ =	sdelay $0x3  }
0x96: {  	_ =	strace s3  }
0x97: {  	_ =	strace $0x8FFFFFFF  }
0x98: {  	s19 =	sld [smem:$0x3FDB];
	_ =	sdelay $0x1  }
0x99: {  	s4 =	simm.s32 $_scs_section_size  }
0x9a: {  	s5 =	simm.s32 $_size__tile_overlayer_lowered;
	s6 =	simm.s32 $_tile_overlayer_lowered  }
0x9b: {  	s22 =	simm.s32 $0x1BFF;
	s21 =	sshll.u32 s6, $0x1;
	s3 =	sadd.s32 s4, s19  }
0x9c: {  	s7 =	simm.s32 $0x0;
	s20 =	sshll.u32 s5, $0x1;
	s5 =	sadd.s32 s21, s3  }
0x9d: {  	[timem:s7], [sflag:s22] =	dma.local [hbm:s5], s20  }
0x9e: {  	_ =	swait.ge [sflag:s22], s20  }
0x9f: {  	s4 =	ssub.s32 $0x0, s20;
	[sflag:s22] =	ssyncset.done $0x0  }
0xa0: {  	[sflag:s22] =	ssyncadd.s32 s4;
	_ =	sdelay $0x1  }
0xa1: {  	s23 =	simm.s32 $0x1B8B  }
0xa2: {  	_ =	swait.ge [sflag:s23], $0x1  }
0xa3: {  	[sflag:s23] =	ssyncset.done $0x0  }
0xa4: {  	s25 =	simm.s32 $0x1B8E;
	s24 =	sld [smem:$0x3FFE];
	[sflag:s23] =	ssyncadd.s32 $0xFFFFFFFF  }
0xa5: {  	s26 =	simm.s32 $execute0_lowered;
	[smem:$0x3FD2] =	sst s25  }
0xa6: {  	s5 =	sshll.u32 s26, $0x1;
	_ =	strace $0x80000046;
	[dreg:$0x1] =	wrdreg $0xFFFFFFFF  }
0xa7: {  	s28 =	simm.s32 $_size_execute0_lowered;
	s3 =	sadd.s32 s3, s5;
	[dreg:$0x0] =	wrdreg $0x0  }
0xa8: {  	s5 =	sshll.u32 s28, $0x1;
	[dreg:$0x2] =	wrdreg s3  }
0xa9: {  	[dreg:$0x3] =	wrdreg s5  }
0xaa: {  	[dreg:$0x4] =	wrdreg $0xC0  }
0xab: {  	_ =	task [dreg:s7], $0x5FFFF  }
0xac: {  	[dreg:$0x1] =	wrdreg $0xFFFFFFFF  }
0xad: {  	[dreg:$0x0] =	wrdreg $0x60  }
0xae: {  	[dreg:$0x2] =	wrdreg s24  }
0xaf: {  	[dreg:$0x3] =	wrdreg s2  }
0xb0: {  	[dreg:$0x4] =	wrdreg $0x9  }
0xb1: {  	_ =	task.clear_ibuf [dreg:s7], $0x5FFFF;
	_ =	strace $0x90000046  }
0xb2: {  	s29 =	simm.s32 $0x9;
	_ =	strace $0x80000048  }
0xb3: {  	_ =	swait.ge [sflag:s29], $0x1  }
0xb4: {  	[sflag:s29] =	ssyncadd.s32 $0xFFFFFFFF  }
0xb5: {  	_ =	strace $0x90000048  }
0xb6: {  	_ =	sfence  }
0xb7: {  	s30 =	sld [smem:$0x0];
	_ =	sdelay $0x2  }
0xb8: {  	s31 =	sshll.u32 s1, $0xD;
	s1 =	sshrl.u32 s1, $0x2  }
0xb9: {  	s3 =	sand.u32 $0x4000, s31;
	s1 =	sadd.s32 s1, s30  }
0xba: {  	s0 =	sor.u32 s3, s0;
	s1 =	sshll.u32 s1, $0x11  }
0xbb: {  	s0 =	sor.u32 s1, s0  }
0xbc: {  	s0 =	sadd.s32 $0x8F2B, s0  }
0xbd: {  	[sflag:s0] =	ssyncadd.remote.s32 $0x1  }
0xbe: {  	_ =	sfence.sel $0xFFFF  }
0xbf: {  	[dreg:$0x0] =	wrdreg $0xFFFFFFFF;
	(pc) =	sbr.abs _section_cstart, $3  }
0xc0: {  	[dreg:$0x1] =	wrdreg $0xFFFFFFFF  }
0xc1: {  	_ =	task.clear_ibuf [dreg:s7], $0x2FFFF;
	_ =	strace $0x9FFFFFFF  }
0xc2: {  	(tm) =	ssettm $0x7FFFFFFF  }
0xc3: {  	_ =	shalt  }
tec
execute0_lowered:
.L_overlay_start_1:
0x0: {  	(tag) =	ssettag $0x1  }
0x1: {  	s1 =	srdreg.scid  }
0x2: {  	s0 =	stileid.u32;
	s6 =	sand.u32 $0x1, s1  }
0x3: {  	s5 =	rddreg [dreg:$0x0];
	s30 =	sshll.u32 s0, $0xD;
	s2 =	sshll.u32 s6, $0xC  }
0x4: {  	s8 =	rddreg [dreg:$0x1];
	s9 =	sor.u32 s2, s30  }
0x5: {  	s1 =	rddreg [dreg:$0x2];
	s2 =	simm.s32 $0x0;
	s3 =	sshrl.u32 s9, $0x3  }
0x6: {  	s10 =	ssub.s32 $0x2, s6;
	[smem:$0x7FF] =	sst s2;
	s3 =	sadd.s32 s3, s5  }
0x7: {  	_ =	strace $0x80000047;
	s4 =	sadd.s32 $0x9400, s3;
	s3 =	simm.s32 $0x2  }
0x8: {  	[tilespmem:s2], [sflag:$0x2] =	stream.linear.gather [hbm4b:s4+s2], $0x1000, $0x38;
	[tilespmem:$0x11000] =	vst v63  }
0x9: {  	s7 =	simm.s32 $0x1;
	s11 =	sshrl.u32 s10, $0x1;
	_ =	swait.ge [sflag:s3], $0x1000  }
0xa: {  	s6 =	simm.s32 $0x1000;
	s10 =	ssub.s32 s10, s11;
	[sflag:s3] =	ssyncset.done $0x0  }
0xb: {  	s5 =	sadd.s32 $0x1400, s5;
	s31 =	smax.u32 s10, $0x1;
	[sflag:s3] =	ssyncadd.s32 $0xFFFFF000  }
0xc: {  	[tilespmem:s6], [sflag:$0x1] =	stream.indirect.gather [hbm4b:s5+s6], $0x10, s2, s6, $0xb8;
	[tilespmem:$0x11000] =	vst v63  }
0xd: {  	p0 =	sne.s32 s31, $0x1;
	_ =	swait.ge [sflag:s7], $0x10000  }
.Ltmp0:
0xe: {  	s9 =	sshll.u32 s9, $0x1;
	[sflag:s7] =	ssyncset.done $0x0;
	(pc) =	sbr.rel @!p0 .LBB2_2-.Ltmp0, $4  }
0xf: {  	s8 =	sadd.s32 s8, s9;
	[sflag:s7] =	ssyncadd.s32 $0xFFFF0000  }
0x10: {  	[hbm4b:s8+s2] =	stream.linear.scatter [tilespmem:s6], [sflag:$0x2], $0x10000, $0x38;
	[tilespmem:$0x11000] =	vst v63  }
0x11: {  	_ =	swait.ge [sflag:s3], $0x10000  }
0x12: {  	s9 =	sadd.s32 $0xFFFFFFFF, s31;
	[sflag:s3] =	ssyncset.done $0x0  }
.LBB2_1:
0x13: {  	p0 =	sne.s32 s9, $0x1;
	s9 =	sadd.s32 $0xFFFFFFFF, s9;
	[sflag:s3] =	ssyncadd.s32 $0xFFFF0000  }
0x14: {  	[tilespmem:s2], [sflag:$0x2] =	stream.linear.gather [hbm4b:s4+s2], $0x1000, $0x38;
	[tilespmem:$0x11000] =	vst v63  }
0x15: {  	_ =	swait.ge [sflag:s3], $0x1000  }
0x16: {  	[sflag:s3] =	ssyncset.done $0x0  }
0x17: {  	[sflag:s3] =	ssyncadd.s32 $0xFFFFF000  }
0x18: {  	[tilespmem:s6], [sflag:$0x1] =	stream.indirect.gather [hbm4b:s5+s6], $0x10, s2, s6, $0xb8;
	[tilespmem:$0x11000] =	vst v63  }
0x19: {  	_ =	swait.ge [sflag:s7], $0x10000  }
.Ltmp1:
0x1a: {  	[sflag:s7] =	ssyncset.done $0x0;
	(pc) =	sbr.rel @p0 .LBB2_1-.Ltmp1, $4  }
0x1b: {  	[sflag:s7] =	ssyncadd.s32 $0xFFFF0000  }
0x1c: {  	[hbm4b:s8+s2] =	stream.linear.scatter [tilespmem:s6], [sflag:$0x2], $0x10000, $0x38;
	[tilespmem:$0x11000] =	vst v63  }
0x1d: {  	_ =	swait.ge [sflag:s3], $0x10000  }
0x1e: {  	[sflag:s3] =	ssyncset.done $0x0  }
.LBB2_2:
0x1f: {  	[sflag:s3] =	ssyncadd.s32 $0xFFFF0000  }
0x20: {  	_ =	sfence.sel $0x180000  }
0x21: {  	[bflag:$0x0] =	sbarrier.arrive $0xFFFF  }
0x22: {  	p0 =	sne.s32 s0, $0x0;
	_ =	strace $0x90000047  }
0x23: {  	s0 =	sadd.s32 @!p0 $0x100000, s1;
	[bflag:$0x2] =	sbarrier.arrive $0xFFFF  }
0x24: {  	[sflag:s0] =	ssyncadd.tile.s32 @!p0 $0x1;
	_ =	shalt  }
.Lfunc_end2:
_tile_overlayer_lowered:
.L_overlay_start_2:
0x25: {  	(tag) =	ssettag $0x2  }
0x26: {  	s0 =	rddreg [dreg:$0x0];
	s2 =	stileid.u32  }
0x27: {  	s1 =	rddreg [dreg:$0x1];
	p0 =	sne.s32 s2, $0x0  }
0x28: {  	s3 =	rddreg [dreg:$0x2];
	[bflag:$0x3] =	sbarrier.arrive $0xFFFF;
	s2 =	simm.s32 @!p0 $0x1C02  }
0x29: {  	[timem:s3], [sflag:s2] =	dma.local @!p0 [hbm:s0], s1  }
0x2a: {  	s0 =	simm.s32 @!p0 $0x2  }
0x2b: {  	_ =	swait.ge @!p0 [sflag:s0], s1  }
0x2c: {  	s1 =	ssub.s32 @!p0 $0x0, s1;
	[sflag:s0] =	ssyncset.done @!p0 $0x0  }
0x2d: {  	[sflag:s0] =	ssyncadd.s32 @!p0 s1  }
0x2e: {  	[bflag:$0x3] =	sbarrier.arrive $0xFFFF  }
0x2f: {  	_ =	shalt  }

</sc_bundles>
